<compile_context>
chip_gen: v7x
topology: tpu7x:2x2x1
jax: 0.10.2.dev20260603
libtpu: 0.0.44.dev20260713+nightly
codegen_flags: <defaults>
</compile_context>

<pallas_src>
import functools

import jax
import jax.numpy as jnp
from jax import lax
from jax.experimental import pallas as pl
from jax.experimental.pallas import tpu as pltpu
from jax.experimental.pallas import tpu_sc as plsc

_K = 1024
_D = 64
_BETA = 0.25
_BB = 8
_TB = 256
_BLK = _BB * _TB


def _vq_body(z_ref, zsq_ref, cb_ref, esq_ref,
             idx_ref, loss_ref, perp_ref,
             loss_acc, cnt_acc, *, n_rows, gb, gt):
    b = pl.program_id(0)
    t = pl.program_id(1)
    z = z_ref[...].reshape(_BLK, _D)
    zsqt = zsq_ref[...].reshape(1, _BLK)
    dots = jax.lax.dot_general(
        cb_ref[...], z, (((1,), (1,)), ((), ())),
        preferred_element_type=jnp.float32)
    d = (zsqt + esq_ref[...]) - 2.0 * dots
    mind = jnp.min(d, axis=0, keepdims=True)
    iota = jax.lax.broadcasted_iota(jnp.int32, (_K, _BLK), 0)
    idx = jnp.min(jnp.where(d == mind, iota, _K),
                  axis=0, keepdims=True)
    idx_ref[...] = idx.reshape(_BB, _TB)
    onehot = (iota == idx).astype(jnp.float32)

    @pl.when((b == 0) & (t == 0))
    def _init():
        loss_acc[...] = jnp.zeros_like(loss_acc)
        cnt_acc[...] = jnp.zeros_like(cnt_acc)

    loss_acc[...] += jnp.sum(mind, axis=(0, 1), keepdims=True)
    part = onehot[:, 0:128]
    for c in range(128, _BLK, 128):
        part = part + onehot[:, c:c + 128]
    cnt_acc[...] += part

    @pl.when((b == gb - 1) & (t == gt - 1))
    def _fini():
        loss_ref[...] = (1.0 + _BETA) * loss_acc[...] / (n_rows * _D)
        cnt = jnp.sum(cnt_acc[...], axis=1, keepdims=True)
        avg = cnt / n_rows
        ent = jnp.sum(avg * jnp.log(avg + 1e-12), axis=(0, 1), keepdims=True)
        perp_ref[...] = jnp.exp(-ent)


def _gather_kernel(n_rows):
    rows_per_w = 1024
    chunk = 512
    mesh = plsc.VectorSubcoreMesh(core_axis_name="c", subcore_axis_name="s")

    @functools.partial(
        pl.kernel, mesh=mesh,
        out_type=jax.ShapeDtypeStruct((n_rows, 128), jnp.float32),
        scratch_types=[
            pltpu.VMEM((rows_per_w,), jnp.int32),
            pltpu.VMEM((chunk, 128), jnp.float32),
            pltpu.SemaphoreType.DMA,
        ],
    )
    def gather(cb_hbm, idx_hbm, zq_hbm, idx_v, rows_v, sem):
        wid = lax.axis_index("s") * 2 + lax.axis_index("c")
        pltpu.sync_copy(idx_hbm.at[wid], idx_v)
        for h in range(rows_per_w // chunk):
            pltpu.async_copy(
                cb_hbm.at[idx_v.at[pl.ds(h * chunk, chunk)]], rows_v, sem
            ).wait()
            pltpu.sync_copy(
                rows_v,
                zq_hbm.at[pl.ds(wid * rows_per_w + h * chunk, chunk)])

    return gather


def kernel(z_e, codebook):
    nb, nt, _ = z_e.shape
    n_rows = nb * nt
    gb, gt = nb // _BB, nt // _TB
    zsq = jnp.sum(z_e ** 2, axis=2)
    esq = jnp.sum(codebook ** 2, axis=1).reshape(_K, 1)

    body = lambda *refs: _vq_body(*refs, n_rows=n_rows, gb=gb, gt=gt)
    idx, loss, perp = pl.pallas_call(
        body,
        grid=(gb, gt),
        in_specs=[
            pl.BlockSpec((_BB, _TB, _D), lambda b, t: (b, t, 0)),
            pl.BlockSpec((_BB, _TB), lambda b, t: (b, t)),
            pl.BlockSpec((_K, _D), lambda b, t: (0, 0)),
            pl.BlockSpec((_K, 1), lambda b, t: (0, 0)),
        ],
        out_specs=[
            pl.BlockSpec((_BB, _TB), lambda b, t: (b, t)),
            pl.BlockSpec((1, 1), lambda b, t: (0, 0)),
            pl.BlockSpec((1, 1), lambda b, t: (0, 0)),
        ],
        out_shape=[
            jax.ShapeDtypeStruct((nb, nt), jnp.int32),
            jax.ShapeDtypeStruct((1, 1), jnp.float32),
            jax.ShapeDtypeStruct((1, 1), jnp.float32),
        ],
        scratch_shapes=[
            pltpu.VMEM((1, 1), jnp.float32),
            pltpu.VMEM((_K, 128), jnp.float32),
        ],
    )(z_e, zsq, codebook, esq)

    cb_pad = jnp.pad(codebook, ((0, 0), (0, 128 - _D)))
    zq_pad = _gather_kernel(n_rows)(cb_pad, idx)
    zq = zq_pad[:, :_D].reshape(z_e.shape)
    return (zq, idx, loss[0, 0], perp[0, 0])

# --- scband reference (transcript-rebuilt; emitter-appended) ---
"""Pipeline reference for scband-vector-quantizer-46102178955959 (READ-ONLY COPY).

The authoritative reference and input builder live on the scoring server;
editing this copy changes nothing except your own understanding.
"""

import jax, jax.numpy as jnp
import numpy as np

CODEBOOK_SIZE = 1024
EMB_DIM = 64
BETA = 0.25

def setup_inputs(seed: int = 0) -> dict:
    key = jax.random.key(seed)
    k1, k2 = jax.random.split(key)
    z_e = jax.random.normal(k1, (32, 1024, EMB_DIM), dtype=jnp.float32)
    codebook = jax.random.normal(k2, (CODEBOOK_SIZE, EMB_DIM), dtype=jnp.float32) * 0.05
    return {"z_e": z_e, "codebook": codebook}

def reference(z_e, codebook):
    z = z_e.reshape(-1, EMB_DIM)
    z_sq = jnp.sum(z ** 2, axis=1, keepdims=True)
    e_sq = jnp.sum(codebook ** 2, axis=1)
    distances = z_sq + e_sq[None, :] - 2.0 * (z @ codebook.T)
    indices = jnp.argmin(distances, axis=1)
    z_q = jnp.take(codebook, indices, axis=0).reshape(z_e.shape)
    commitment = jnp.mean((jax.lax.stop_gradient(z_e) - z_q) ** 2)
    codebook_loss = jnp.mean((z_e - jax.lax.stop_gradient(z_q)) ** 2)
    z_q_st = z_e + jax.lax.stop_gradient(z_q - z_e)
    loss_vq = codebook_loss + BETA * commitment
    counts = jnp.bincount(indices, length=CODEBOOK_SIZE).astype(jnp.float32)
    avg_probs = counts / indices.shape[0]
    perplexity = jnp.exp(-jnp.sum(avg_probs * jnp.log(avg_probs + 1e-12)))
    return (z_q_st, indices.reshape(z_e.shape[:-1]), loss_vq, perplexity)

if __name__ == "__main__":
    import jax
    _d = setup_inputs()
    print(jax.jit(kernel)(*tuple(_d.values())))

</pallas_src>

<mosaic_0001>
#map = affine_map<(d0, d1) -> (0, 0)>
module attributes {stable_mosaic.version = 14 : i64} {
  func.func @gather(%arg0: i32, %arg1: i32, %arg2: memref<1024x128xf32, #tpu.memory_space<hbm>>, %arg3: memref<32x1024xi32, #tpu.memory_space<hbm>>, %arg4: memref<32768x128xf32, #tpu.memory_space<hbm>>, %arg5: memref<1024xi32, #tpu.memory_space<vmem>>, %arg6: memref<512x128xf32, #tpu.memory_space<vmem>>, %arg7: memref<!tpu.dma_semaphore, #tpu.memory_space<semaphore_mem>>) attributes {dimension_semantics = [#tpu.dimension_semantics<core_parallel>, #tpu.dimension_semantics<subcore_parallel>], iteration_bounds = array<i64: 2, 16>, scalar_prefetch = 0 : i64, scratch_operands = 3 : i64, tpu.core_type = #tpu.core_type<sc_vector_subcore>, window_params = [{transform_indices = #map}, {transform_indices = #map}, {transform_indices = #map}]} {
    %mul3A = arith.constant 2 : i32
    %mul3A_0 = arith.muli %arg1, %mul3A : i32
    %add3A = arith.addi %mul3A_0, %arg0 : i32
    "tpu.region"() ({
      %run_scoped3A = tpu.sem_alloc : memref<!tpu.dma_semaphore, #tpu.memory_space<semaphore_mem>>
      %dma_start3A_27 = arith.constant 0 : i32
      %dma_start3A_28 = tpu.memref_slice %arg3[%add3A, %dma_start3A_27] : memref<32x1024xi32, #tpu.memory_space<hbm>> -> memref<1x1024xi32, #tpu.memory_space<hbm>>
      %dma_start3A_29 = tpu.memref_squeeze %dma_start3A_28 : memref<1x1024xi32, #tpu.memory_space<hbm>> -> memref<1024xi32, #tpu.memory_space<hbm>>
      %dma_start3A_30 = arith.constant 0 : i32
      %dma_start3A_31 = tpu.memref_slice %arg3[%add3A, %dma_start3A_30] : memref<32x1024xi32, #tpu.memory_space<hbm>> -> memref<1x1024xi32, #tpu.memory_space<hbm>>
      %dma_start3A_32 = tpu.memref_squeeze %dma_start3A_31 : memref<1x1024xi32, #tpu.memory_space<hbm>> -> memref<1024xi32, #tpu.memory_space<hbm>>
      tpu.enqueue_dma source(%dma_start3A_32 : memref<1024xi32, #tpu.memory_space<hbm>>) target(%arg5 : memref<1024xi32, #tpu.memory_space<vmem>>) target_semaphore(%run_scoped3A : memref<!tpu.dma_semaphore, #tpu.memory_space<semaphore_mem>>)
      %dma_wait3A_33 = arith.constant 0 : i32
      %dma_wait3A_34 = tpu.memref_slice %arg3[%add3A, %dma_wait3A_33] : memref<32x1024xi32, #tpu.memory_space<hbm>> -> memref<1x1024xi32, #tpu.memory_space<hbm>>
      %dma_wait3A_35 = tpu.memref_squeeze %dma_wait3A_34 : memref<1x1024xi32, #tpu.memory_space<hbm>> -> memref<1024xi32, #tpu.memory_space<hbm>>
      %dma_wait3A_36 = arith.constant 0 : i32
      %dma_wait3A_37 = tpu.memref_slice %arg3[%add3A, %dma_wait3A_36] : memref<32x1024xi32, #tpu.memory_space<hbm>> -> memref<1x1024xi32, #tpu.memory_space<hbm>>
      %dma_wait3A_38 = tpu.memref_squeeze %dma_wait3A_37 : memref<1x1024xi32, #tpu.memory_space<hbm>> -> memref<1024xi32, #tpu.memory_space<hbm>>
      tpu.wait_dma2 semaphore(%run_scoped3A : memref<!tpu.dma_semaphore, #tpu.memory_space<semaphore_mem>>) src(%dma_wait3A_38 : memref<1024xi32, #tpu.memory_space<hbm>>) dst(%arg5 : memref<1024xi32, #tpu.memory_space<vmem>>)
      tpu.yield
    }) : () -> ()
    %dma_start3A = arith.constant 0 : i32
    %dma_start3A_1 = tpu.memref_slice %arg5[%dma_start3A] : memref<1024xi32, #tpu.memory_space<vmem>> -> memref<512xi32, #tpu.memory_space<vmem>>
    %dma_start3A_2 = arith.constant 0 : i32
    %dma_start3A_3 = arith.constant 0 : i32
    %dma_start3A_4 = tpu.memref_slice %arg2[%dma_start3A_2, %dma_start3A_3] : memref<1024x128xf32, #tpu.memory_space<hbm>> -> memref<1024x128xf32, #tpu.memory_space<hbm>>
    tpu.enqueue_indirect_dma source(%dma_start3A_4 : memref<1024x128xf32, #tpu.memory_space<hbm>>) target(%arg6 : memref<512x128xf32, #tpu.memory_space<vmem>>) offsets(%dma_start3A_1 : memref<512xi32, #tpu.memory_space<vmem>>) semaphore(%arg7 : memref<!tpu.dma_semaphore, #tpu.memory_space<semaphore_mem>>)
    %dma_wait3A = arith.constant 0 : i32
    %dma_wait3A_5 = tpu.memref_slice %arg5[%dma_wait3A] : memref<1024xi32, #tpu.memory_space<vmem>> -> memref<512xi32, #tpu.memory_space<vmem>>
    %dma_wait3A_6 = arith.constant 0 : i32
    %dma_wait3A_7 = arith.constant 0 : i32
    %dma_wait3A_8 = tpu.memref_slice %arg2[%dma_wait3A_6, %dma_wait3A_7] : memref<1024x128xf32, #tpu.memory_space<hbm>> -> memref<1024x128xf32, #tpu.memory_space<hbm>>
    tpu.wait_indirect_dma semaphore(%arg7 : memref<!tpu.dma_semaphore, #tpu.memory_space<semaphore_mem>>) src(%dma_wait3A_8 : memref<1024x128xf32, #tpu.memory_space<hbm>>) dst(%arg6 : memref<512x128xf32, #tpu.memory_space<vmem>>)
    %mul3A_9 = arith.constant 1024 : i32
    %mul3A_10 = arith.muli %add3A, %mul3A_9 : i32
    %add3A_11 = arith.constant 0 : i32
    %add3A_12 = arith.addi %mul3A_10, %add3A_11 : i32
    "tpu.region"() ({
      %run_scoped3A = tpu.sem_alloc : memref<!tpu.dma_semaphore, #tpu.memory_space<semaphore_mem>>
      %dma_start3A_27 = arith.constant 0 : i32
      %dma_start3A_28 = tpu.memref_slice %arg4[%add3A_12, %dma_start3A_27] : memref<32768x128xf32, #tpu.memory_space<hbm>> -> memref<512x128xf32, #tpu.memory_space<hbm>>
      %dma_start3A_29 = arith.constant 0 : i32
      %dma_start3A_30 = tpu.memref_slice %arg4[%add3A_12, %dma_start3A_29] : memref<32768x128xf32, #tpu.memory_space<hbm>> -> memref<512x128xf32, #tpu.memory_space<hbm>>
      tpu.enqueue_dma source(%arg6 : memref<512x128xf32, #tpu.memory_space<vmem>>) target(%dma_start3A_30 : memref<512x128xf32, #tpu.memory_space<hbm>>) target_semaphore(%run_scoped3A : memref<!tpu.dma_semaphore, #tpu.memory_space<semaphore_mem>>)
      %dma_wait3A_31 = arith.constant 0 : i32
      %dma_wait3A_32 = tpu.memref_slice %arg4[%add3A_12, %dma_wait3A_31] : memref<32768x128xf32, #tpu.memory_space<hbm>> -> memref<512x128xf32, #tpu.memory_space<hbm>>
      %dma_wait3A_33 = arith.constant 0 : i32
      %dma_wait3A_34 = tpu.memref_slice %arg4[%add3A_12, %dma_wait3A_33] : memref<32768x128xf32, #tpu.memory_space<hbm>> -> memref<512x128xf32, #tpu.memory_space<hbm>>
      tpu.wait_dma2 semaphore(%run_scoped3A : memref<!tpu.dma_semaphore, #tpu.memory_space<semaphore_mem>>) src(%arg6 : memref<512x128xf32, #tpu.memory_space<vmem>>) dst(%dma_wait3A_34 : memref<512x128xf32, #tpu.memory_space<hbm>>)
      tpu.yield
    }) : () -> ()
    %dma_start3A_13 = arith.constant 512 : i32
    %dma_start3A_14 = tpu.memref_slice %arg5[%dma_start3A_13] : memref<1024xi32, #tpu.memory_space<vmem>> -> memref<512xi32, #tpu.memory_space<vmem>>
    %dma_start3A_15 = arith.constant 0 : i32
    %dma_start3A_16 = arith.constant 0 : i32
    %dma_start3A_17 = tpu.memref_slice %arg2[%dma_start3A_15, %dma_start3A_16] : memref<1024x128xf32, #tpu.memory_space<hbm>> -> memref<1024x128xf32, #tpu.memory_space<hbm>>
    tpu.enqueue_indirect_dma source(%dma_start3A_17 : memref<1024x128xf32, #tpu.memory_space<hbm>>) target(%arg6 : memref<512x128xf32, #tpu.memory_space<vmem>>) offsets(%dma_start3A_14 : memref<512xi32, #tpu.memory_space<vmem>>) semaphore(%arg7 : memref<!tpu.dma_semaphore, #tpu.memory_space<semaphore_mem>>)
    %dma_wait3A_18 = arith.constant 512 : i32
    %dma_wait3A_19 = tpu.memref_slice %arg5[%dma_wait3A_18] : memref<1024xi32, #tpu.memory_space<vmem>> -> memref<512xi32, #tpu.memory_space<vmem>>
    %dma_wait3A_20 = arith.constant 0 : i32
    %dma_wait3A_21 = arith.constant 0 : i32
    %dma_wait3A_22 = tpu.memref_slice %arg2[%dma_wait3A_20, %dma_wait3A_21] : memref<1024x128xf32, #tpu.memory_space<hbm>> -> memref<1024x128xf32, #tpu.memory_space<hbm>>
    tpu.wait_indirect_dma semaphore(%arg7 : memref<!tpu.dma_semaphore, #tpu.memory_space<semaphore_mem>>) src(%dma_wait3A_22 : memref<1024x128xf32, #tpu.memory_space<hbm>>) dst(%arg6 : memref<512x128xf32, #tpu.memory_space<vmem>>)
    %mul3A_23 = arith.constant 1024 : i32
    %mul3A_24 = arith.muli %add3A, %mul3A_23 : i32
    %add3A_25 = arith.constant 512 : i32
    %add3A_26 = arith.addi %mul3A_24, %add3A_25 : i32
    "tpu.region"() ({
      %run_scoped3A = tpu.sem_alloc : memref<!tpu.dma_semaphore, #tpu.memory_space<semaphore_mem>>
      %dma_start3A_27 = arith.constant 0 : i32
      %dma_start3A_28 = tpu.memref_slice %arg4[%add3A_26, %dma_start3A_27] : memref<32768x128xf32, #tpu.memory_space<hbm>> -> memref<512x128xf32, #tpu.memory_space<hbm>>
      %dma_start3A_29 = arith.constant 0 : i32
      %dma_start3A_30 = tpu.memref_slice %arg4[%add3A_26, %dma_start3A_29] : memref<32768x128xf32, #tpu.memory_space<hbm>> -> memref<512x128xf32, #tpu.memory_space<hbm>>
      tpu.enqueue_dma source(%arg6 : memref<512x128xf32, #tpu.memory_space<vmem>>) target(%dma_start3A_30 : memref<512x128xf32, #tpu.memory_space<hbm>>) target_semaphore(%run_scoped3A : memref<!tpu.dma_semaphore, #tpu.memory_space<semaphore_mem>>)
      %dma_wait3A_31 = arith.constant 0 : i32
      %dma_wait3A_32 = tpu.memref_slice %arg4[%add3A_26, %dma_wait3A_31] : memref<32768x128xf32, #tpu.memory_space<hbm>> -> memref<512x128xf32, #tpu.memory_space<hbm>>
      %dma_wait3A_33 = arith.constant 0 : i32
      %dma_wait3A_34 = tpu.memref_slice %arg4[%add3A_26, %dma_wait3A_33] : memref<32768x128xf32, #tpu.memory_space<hbm>> -> memref<512x128xf32, #tpu.memory_space<hbm>>
      tpu.wait_dma2 semaphore(%run_scoped3A : memref<!tpu.dma_semaphore, #tpu.memory_space<semaphore_mem>>) src(%arg6 : memref<512x128xf32, #tpu.memory_space<vmem>>) dst(%dma_wait3A_34 : memref<512x128xf32, #tpu.memory_space<hbm>>)
      tpu.yield
    }) : () -> ()
    return
  }
}

module attributes {stable_mosaic.version = 14 : i64} {
  func.func @_lambda_(%arg0: i32, %arg1: i32, %arg2: memref<8x256x64xf32, #tpu.memory_space<vmem>>, %arg3: memref<8x256xf32, #tpu.memory_space<vmem>>, %arg4: memref<1024x64xf32, #tpu.memory_space<vmem>>, %arg5: memref<1024x1xf32, #tpu.memory_space<vmem>>, %arg6: memref<8x256xi32, #tpu.memory_space<vmem>>, %arg7: memref<1x1xf32, #tpu.memory_space<vmem>>, %arg8: memref<1x1xf32, #tpu.memory_space<vmem>>, %arg9: memref<1x1xf32, #tpu.memory_space<vmem>>, %arg10: memref<1024x128xf32, #tpu.memory_space<vmem>>) attributes {dimension_semantics = [#tpu.dimension_semantics<arbitrary>, #tpu.dimension_semantics<arbitrary>], iteration_bounds = array<i64: 4, 4>, scalar_prefetch = 0 : i64, scratch_operands = 2 : i64, tpu.core_type = #tpu.core_type<tc>, window_params = [{transform_indices = @transform_0, window_bounds = array<i64: 8, 256, 64>}, {transform_indices = @transform_1, window_bounds = array<i64: 8, 256>}, {pipeline_mode = #tpu.pipeline_mode<synchronous>, transform_indices = @transform_2, window_bounds = array<i64: 1024, 64>}, {pipeline_mode = #tpu.pipeline_mode<synchronous>, transform_indices = @transform_3, window_bounds = array<i64: 1024, 1>}, {transform_indices = @transform_4, window_bounds = array<i64: 8, 256>}, {pipeline_mode = #tpu.pipeline_mode<synchronous>, transform_indices = @transform_5, window_bounds = array<i64: 1, 1>}, {pipeline_mode = #tpu.pipeline_mode<synchronous>, transform_indices = @transform_6, window_bounds = array<i64: 1, 1>}]} {
    %get3A = arith.constant 0 : index
    %get3A_0 = arith.constant 0 : index
    %get3A_1 = arith.constant 0 : index
    %get3A_2 = vector.load %arg2[%get3A, %get3A_0, %get3A_1] : memref<8x256x64xf32, #tpu.memory_space<vmem>>, vector<8x256x64xf32>
    %reshape3A = vector.shape_cast %get3A_2 : vector<8x256x64xf32> to vector<2048x64xf32>
    %get3A_3 = arith.constant 0 : index
    %get3A_4 = arith.constant 0 : index
    %get3A_5 = vector.load %arg3[%get3A_3, %get3A_4] : memref<8x256xf32, #tpu.memory_space<vmem>>, vector<8x256xf32>
    %reshape3A_6 = vector.shape_cast %get3A_5 : vector<8x256xf32> to vector<1x2048xf32>
    %get3A_7 = arith.constant 0 : index
    %get3A_8 = arith.constant 0 : index
    %get3A_9 = vector.load %arg4[%get3A_7, %get3A_8] : memref<1024x64xf32, #tpu.memory_space<vmem>>, vector<1024x64xf32>
    %dot_general3A = arith.constant dense<0.000000e+00> : vector<1024x2048xf32>
    %dot_general3A_10 = tpu.matmul %get3A_9, %reshape3A, %dot_general3A {dimension_numbers = #tpu.dot_dimension_numbers<[1], [1], [0], [0], [0, 0, 1, 0], [], []>, transpose_lhs_hint = false} : vector<1024x64xf32>, vector<2048x64xf32>, vector<1024x2048xf32> -> vector<1024x2048xf32>
    %get3A_11 = arith.constant 0 : index
    %get3A_12 = arith.constant 0 : index
    %get3A_13 = vector.load %arg5[%get3A_11, %get3A_12] : memref<1024x1xf32, #tpu.memory_space<vmem>>, vector<1024x1xf32>
    %add3A = vector.broadcast %reshape3A_6 : vector<1x2048xf32> to vector<1024x2048xf32>
    %add3A_14 = vector.broadcast %get3A_13 : vector<1024x1xf32> to vector<1024x2048xf32>
    %add3A_15 = arith.addf %add3A, %add3A_14 : vector<1024x2048xf32>
    %mul3A = arith.constant 2.000000e+00 : f32
    %mul3A_16 = vector.broadcast %mul3A : f32 to vector<1024x2048xf32>
    %mul3A_17 = arith.mulf %mul3A_16, %dot_general3A_10 : vector<1024x2048xf32>
    %sub3A = arith.subf %add3A_15, %mul3A_17 : vector<1024x2048xf32>
    %reduce_min3A = arith.constant dense<0x7F800000> : vector<2048xf32>
    %reduce_min3A_18 = vector.multi_reduction <minimumf>, %sub3A, %reduce_min3A [0] : vector<1024x2048xf32> to vector<2048xf32>
    %broadcast_in_dim3A = vector.shape_cast %reduce_min3A_18 : vector<2048xf32> to vector<1x2048xf32>
    %iota3A = tpu.iota {dimensions = array<i32: 0>} : vector<1024x2048xi32>
    %eq3A = vector.broadcast %broadcast_in_dim3A : vector<1x2048xf32> to vector<1024x2048xf32>
    %eq3A_19 = arith.cmpf oeq, %sub3A, %eq3A : vector<1024x2048xf32>
    %jit3A = arith.constant 1024 : i32
    %broadcast_in_dim3A_20 = vector.broadcast %jit3A : i32 to vector<1024x2048xi32>
    %select_n3A = arith.select %eq3A_19, %iota3A, %broadcast_in_dim3A_20 : vector<1024x2048xi1>, vector<1024x2048xi32>
    %reduce_min3A_21 = arith.constant dense<2147483647> : vector<2048xi32>
    %reduce_min3A_22 = vector.multi_reduction <minsi>, %select_n3A, %reduce_min3A_21 [0] : vector<1024x2048xi32> to vector<2048xi32>
    %broadcast_in_dim3A_23 = vector.shape_cast %reduce_min3A_22 : vector<2048xi32> to vector<1x2048xi32>
    %reshape3A_24 = vector.shape_cast %broadcast_in_dim3A_23 : vector<1x2048xi32> to vector<8x256xi32>
    %swap3A = arith.constant 0 : index
    %swap3A_25 = arith.constant 0 : index
    %swap3A_26 = vector.load %arg6[%swap3A, %swap3A_25] : memref<8x256xi32, #tpu.memory_space<vmem>>, vector<8x256xi32>
    tpu.vector_store %arg6[%swap3A, %swap3A_25], %reshape3A_24 {strides = array<i32>} : memref<8x256xi32, #tpu.memory_space<vmem>>, vector<8x256xi32>,
    %eq3A_27 = vector.broadcast %broadcast_in_dim3A_23 : vector<1x2048xi32> to vector<1024x2048xi32>
    %eq3A_28 = arith.cmpi eq, %iota3A, %eq3A_27 : vector<1024x2048xi32>
    %convert_element_type3A = arith.extui %eq3A_28 : vector<1024x2048xi1> to vector<1024x2048xi32>
    %convert_element_type3A_29 = arith.sitofp %convert_element_type3A : vector<1024x2048xi32> to vector<1024x2048xf32>
    %eq3A_30 = arith.constant 0 : i32
    %eq3A_31 = arith.cmpi eq, %arg0, %eq3A_30 : i32
    %eq3A_32 = arith.constant 0 : i32
    %eq3A_33 = arith.cmpi eq, %arg1, %eq3A_32 : i32
    %and3A = arith.andi %eq3A_31, %eq3A_33 : i1
    %convert_element_type3A_34 = arith.extui %and3A : i1 to i32
    %cond3A = arith.constant 0 : i32
    %cond3A_35 = arith.cmpi ne, %convert_element_type3A_34, %cond3A : i32
    scf.if %cond3A_35 {
      %broadcast_in_dim3A_93 = arith.constant 0.000000e+00 : f32
      %broadcast_in_dim3A_94 = vector.broadcast %broadcast_in_dim3A_93 : f32 to vector<1x1xf32>
      %swap3A_95 = arith.constant 0 : index
      %swap3A_96 = arith.constant 0 : index
      %swap3A_97 = vector.load %arg9[%swap3A_95, %swap3A_96] : memref<1x1xf32, #tpu.memory_space<vmem>>, vector<1x1xf32>
      tpu.vector_store %arg9[%swap3A_95, %swap3A_96], %broadcast_in_dim3A_94 {strides = array<i32>} : memref<1x1xf32, #tpu.memory_space<vmem>>, vector<1x1xf32>,
      %broadcast_in_dim3A_98 = arith.constant 0.000000e+00 : f32
      %broadcast_in_dim3A_99 = vector.broadcast %broadcast_in_dim3A_98 : f32 to vector<1024x128xf32>
      %swap3A_100 = arith.constant 0 : index
      %swap3A_101 = arith.constant 0 : index
      %swap3A_102 = vector.load %arg10[%swap3A_100, %swap3A_101] : memref<1024x128xf32, #tpu.memory_space<vmem>>, vector<1024x128xf32>
      tpu.vector_store %arg10[%swap3A_100, %swap3A_101], %broadcast_in_dim3A_99 {strides = array<i32>} : memref<1024x128xf32, #tpu.memory_space<vmem>>, vector<1024x128xf32>,
    } else {
    }
    %get3A_36 = arith.constant 0 : index
    %get3A_37 = arith.constant 0 : index
    %get3A_38 = vector.load %arg9[%get3A_36, %get3A_37] : memref<1x1xf32, #tpu.memory_space<vmem>>, vector<1x1xf32>
    %reduce_sum3A = vector.shape_cast %broadcast_in_dim3A : vector<1x2048xf32> to vector<1x1x2048xf32>
    %reduce_sum3A_39 = arith.constant dense<0.000000e+00> : vector<1xf32>
    %reduce_sum3A_40 = vector.multi_reduction <add>, %reduce_sum3A, %reduce_sum3A_39 [1, 2] : vector<1x1x2048xf32> to vector<1xf32>
    %reduce_sum3A_41 = vector.shape_cast %reduce_sum3A_40 : vector<1xf32> to vector<1x1x1xf32>
    %reduce_sum3A_42 = vector.extract %reduce_sum3A_41[0, 0, 0] : f32 from vector<1x1x1xf32>
    %broadcast_in_dim3A_43 = vector.broadcast %reduce_sum3A_42 : f32 to vector<1x1xf32>
    %add3A_44 = arith.addf %get3A_38, %broadcast_in_dim3A_43 : vector<1x1xf32>
    %swap3A_45 = arith.constant 0 : index
    %swap3A_46 = arith.constant 0 : index
    %swap3A_47 = vector.load %arg9[%swap3A_45, %swap3A_46] : memref<1x1xf32, #tpu.memory_space<vmem>>, vector<1x1xf32>
    tpu.vector_store %arg9[%swap3A_45, %swap3A_46], %add3A_44 {strides = array<i32>} : memref<1x1xf32, #tpu.memory_space<vmem>>, vector<1x1xf32>,
    %slice3A = vector.extract_strided_slice %convert_element_type3A_29 {offsets = [0, 0], sizes = [1024, 128], strides = [1, 1]} : vector<1024x2048xf32> to vector<1024x128xf32>
    %slice3A_48 = vector.extract_strided_slice %convert_element_type3A_29 {offsets = [0, 128], sizes = [1024, 128], strides = [1, 1]} : vector<1024x2048xf32> to vector<1024x128xf32>
    %add3A_49 = arith.addf %slice3A, %slice3A_48 : vector<1024x128xf32>
    %slice3A_50 = vector.extract_strided_slice %convert_element_type3A_29 {offsets = [0, 256], sizes = [1024, 128], strides = [1, 1]} : vector<1024x2048xf32> to vector<1024x128xf32>
    %add3A_51 = arith.addf %add3A_49, %slice3A_50 : vector<1024x128xf32>
    %slice3A_52 = vector.extract_strided_slice %convert_element_type3A_29 {offsets = [0, 384], sizes = [1024, 128], strides = [1, 1]} : vector<1024x2048xf32> to vector<1024x128xf32>
    %add3A_53 = arith.addf %add3A_51, %slice3A_52 : vector<1024x128xf32>
    %slice3A_54 = vector.extract_strided_slice %convert_element_type3A_29 {offsets = [0, 512], sizes = [1024, 128], strides = [1, 1]} : vector<1024x2048xf32> to vector<1024x128xf32>
    %add3A_55 = arith.addf %add3A_53, %slice3A_54 : vector<1024x128xf32>
    %slice3A_56 = vector.extract_strided_slice %convert_element_type3A_29 {offsets = [0, 640], sizes = [1024, 128], strides = [1, 1]} : vector<1024x2048xf32> to vector<1024x128xf32>
    %add3A_57 = arith.addf %add3A_55, %slice3A_56 : vector<1024x128xf32>
    %slice3A_58 = vector.extract_strided_slice %convert_element_type3A_29 {offsets = [0, 768], sizes = [1024, 128], strides = [1, 1]} : vector<1024x2048xf32> to vector<1024x128xf32>
    %add3A_59 = arith.addf %add3A_57, %slice3A_58 : vector<1024x128xf32>
    %slice3A_60 = vector.extract_strided_slice %convert_element_type3A_29 {offsets = [0, 896], sizes = [1024, 128], strides = [1, 1]} : vector<1024x2048xf32> to vector<1024x128xf32>
    %add3A_61 = arith.addf %add3A_59, %slice3A_60 : vector<1024x128xf32>
    %slice3A_62 = vector.extract_strided_slice %convert_element_type3A_29 {offsets = [0, 1024], sizes = [1024, 128], strides = [1, 1]} : vector<1024x2048xf32> to vector<1024x128xf32>
    %add3A_63 = arith.addf %add3A_61, %slice3A_62 : vector<1024x128xf32>
    %slice3A_64 = vector.extract_strided_slice %convert_element_type3A_29 {offsets = [0, 1152], sizes = [1024, 128], strides = [1, 1]} : vector<1024x2048xf32> to vector<1024x128xf32>
    %add3A_65 = arith.addf %add3A_63, %slice3A_64 : vector<1024x128xf32>
    %slice3A_66 = vector.extract_strided_slice %convert_element_type3A_29 {offsets = [0, 1280], sizes = [1024, 128], strides = [1, 1]} : vector<1024x2048xf32> to vector<1024x128xf32>
    %add3A_67 = arith.addf %add3A_65, %slice3A_66 : vector<1024x128xf32>
    %slice3A_68 = vector.extract_strided_slice %convert_element_type3A_29 {offsets = [0, 1408], sizes = [1024, 128], strides = [1, 1]} : vector<1024x2048xf32> to vector<1024x128xf32>
    %add3A_69 = arith.addf %add3A_67, %slice3A_68 : vector<1024x128xf32>
    %slice3A_70 = vector.extract_strided_slice %convert_element_type3A_29 {offsets = [0, 1536], sizes = [1024, 128], strides = [1, 1]} : vector<1024x2048xf32> to vector<1024x128xf32>
    %add3A_71 = arith.addf %add3A_69, %slice3A_70 : vector<1024x128xf32>
    %slice3A_72 = vector.extract_strided_slice %convert_element_type3A_29 {offsets = [0, 1664], sizes = [1024, 128], strides = [1, 1]} : vector<1024x2048xf32> to vector<1024x128xf32>
    %add3A_73 = arith.addf %add3A_71, %slice3A_72 : vector<1024x128xf32>
    %slice3A_74 = vector.extract_strided_slice %convert_element_type3A_29 {offsets = [0, 1792], sizes = [1024, 128], strides = [1, 1]} : vector<1024x2048xf32> to vector<1024x128xf32>
    %add3A_75 = arith.addf %add3A_73, %slice3A_74 : vector<1024x128xf32>
    %slice3A_76 = vector.extract_strided_slice %convert_element_type3A_29 {offsets = [0, 1920], sizes = [1024, 128], strides = [1, 1]} : vector<1024x2048xf32> to vector<1024x128xf32>
    %add3A_77 = arith.addf %add3A_75, %slice3A_76 : vector<1024x128xf32>
    %get3A_78 = arith.constant 0 : index
    %get3A_79 = arith.constant 0 : index
    %get3A_80 = vector.load %arg10[%get3A_78, %get3A_79] : memref<1024x128xf32, #tpu.memory_space<vmem>>, vector<1024x128xf32>
    %add3A_81 = arith.addf %get3A_80, %add3A_77 : vector<1024x128xf32>
    %swap3A_82 = arith.constant 0 : index
    %swap3A_83 = arith.constant 0 : index
    %swap3A_84 = vector.load %arg10[%swap3A_82, %swap3A_83] : memref<1024x128xf32, #tpu.memory_space<vmem>>, vector<1024x128xf32>
    tpu.vector_store %arg10[%swap3A_82, %swap3A_83], %add3A_81 {strides = array<i32>} : memref<1024x128xf32, #tpu.memory_space<vmem>>, vector<1024x128xf32>,
    %eq3A_85 = arith.constant 3 : i32
    %eq3A_86 = arith.cmpi eq, %arg0, %eq3A_85 : i32
    %eq3A_87 = arith.constant 3 : i32
    %eq3A_88 = arith.cmpi eq, %arg1, %eq3A_87 : i32
    %and3A_89 = arith.andi %eq3A_86, %eq3A_88 : i1
    %convert_element_type3A_90 = arith.extui %and3A_89 : i1 to i32
    %cond3A_91 = arith.constant 0 : i32
    %cond3A_92 = arith.cmpi ne, %convert_element_type3A_90, %cond3A_91 : i32
    scf.if %cond3A_92 {
      %get3A_93 = arith.constant 0 : index
      %get3A_94 = arith.constant 0 : index
      %get3A_95 = vector.load %arg9[%get3A_93, %get3A_94] : memref<1x1xf32, #tpu.memory_space<vmem>>, vector<1x1xf32>
      %mul3A_96 = arith.constant 1.250000e+00 : f32
      %mul3A_97 = vector.broadcast %mul3A_96 : f32 to vector<1x1xf32>
      %mul3A_98 = arith.mulf %mul3A_97, %get3A_95 : vector<1x1xf32>
      %div3A = arith.constant 0x4A000000 : f32
      %div3A_99 = vector.broadcast %div3A : f32 to vector<1x1xf32>
      %div3A_100 = arith.divf %mul3A_98, %div3A_99 : vector<1x1xf32>
      %swap3A_101 = arith.constant 0 : index
      %swap3A_102 = arith.constant 0 : index
      %swap3A_103 = vector.load %arg7[%swap3A_101, %swap3A_102] : memref<1x1xf32, #tpu.memory_space<vmem>>, vector<1x1xf32>
      tpu.vector_store %arg7[%swap3A_101, %swap3A_102], %div3A_100 {strides = array<i32>} : memref<1x1xf32, #tpu.memory_space<vmem>>, vector<1x1xf32>,
      %get3A_104 = arith.constant 0 : index
      %get3A_105 = arith.constant 0 : index
      %get3A_106 = vector.load %arg10[%get3A_104, %get3A_105] : memref<1024x128xf32, #tpu.memory_space<vmem>>, vector<1024x128xf32>
      %reduce_sum3A_107 = arith.constant dense<0.000000e+00> : vector<1024xf32>
      %reduce_sum3A_108 = vector.multi_reduction <add>, %get3A_106, %reduce_sum3A_107 [1] : vector<1024x128xf32> to vector<1024xf32>
      %broadcast_in_dim3A_109 = vector.shape_cast %reduce_sum3A_108 : vector<1024xf32> to vector<1024x1xf32>
      %div3A_110 = arith.constant 3.276800e+04 : f32
      %div3A_111 = vector.broadcast %div3A_110 : f32 to vector<1024x1xf32>
      %div3A_112 = arith.divf %broadcast_in_dim3A_109, %div3A_111 : vector<1024x1xf32>
      %add3A_113 = arith.constant 9.99999996E-13 : f32
      %add3A_114 = vector.broadcast %add3A_113 : f32 to vector<1024x1xf32>
      %add3A_115 = arith.addf %div3A_112, %add3A_114 : vector<1024x1xf32>
      %log3A = math.log %add3A_115 : vector<1024x1xf32>
      %mul3A_116 = arith.mulf %div3A_112, %log3A : vector<1024x1xf32>
      %reduce_sum3A_117 = vector.shape_cast %mul3A_116 : vector<1024x1xf32> to vector<1x1024x1xf32>
      %reduce_sum3A_118 = arith.constant dense<0.000000e+00> : vector<1xf32>
      %reduce_sum3A_119 = vector.multi_reduction <add>, %reduce_sum3A_117, %reduce_sum3A_118 [1, 2] : vector<1x1024x1xf32> to vector<1xf32>
      %reduce_sum3A_120 = vector.shape_cast %reduce_sum3A_119 : vector<1xf32> to vector<1x1x1xf32>
      %reduce_sum3A_121 = vector.extract %reduce_sum3A_120[0, 0, 0] : f32 from vector<1x1x1xf32>
      %broadcast_in_dim3A_122 = vector.broadcast %reduce_sum3A_121 : f32 to vector<1x1xf32>
      %neg3A = arith.constant 0.000000e+00 : f32
      %neg3A_123 = vector.broadcast %neg3A : f32 to vector<1x1xf32>
      %neg3A_124 = arith.subf %neg3A_123, %broadcast_in_dim3A_122 : vector<1x1xf32>
      %exp3A = math.exp %neg3A_124 : vector<1x1xf32>
      %swap3A_125 = arith.constant 0 : index
      %swap3A_126 = arith.constant 0 : index
      %swap3A_127 = vector.load %arg8[%swap3A_125, %swap3A_126] : memref<1x1xf32, #tpu.memory_space<vmem>>, vector<1x1xf32>
      tpu.vector_store %arg8[%swap3A_125, %swap3A_126], %exp3A {strides = array<i32>} : memref<1x1xf32, #tpu.memory_space<vmem>>, vector<1x1xf32>,
    } else {
    }
    return
  }
  func.func @transform_0(%arg0: i32, %arg1: i32) -> (i32, i32, i32) {
    %c0_i32 = arith.constant 0 : i32
    %c0_i32_0 = arith.constant 0 : i32
    return %arg0, %arg1, %c0_i32 : i32, i32, i32
  }
  func.func @transform_1(%arg0: i32, %arg1: i32) -> (i32, i32) {
    %c0_i32 = arith.constant 0 : i32
    return %arg0, %arg1 : i32, i32
  }
  func.func @transform_2(%arg0: i32, %arg1: i32) -> (i32, i32) {
    %c0_i32 = arith.constant 0 : i32
    %c0_i32_0 = arith.constant 0 : i32
    %c0_i32_1 = arith.constant 0 : i32
    return %c0_i32, %c0_i32_0 : i32, i32
  }
  func.func @transform_3(%arg0: i32, %arg1: i32) -> (i32, i32) {
    %c0_i32 = arith.constant 0 : i32
    %c0_i32_0 = arith.constant 0 : i32
    %c0_i32_1 = arith.constant 0 : i32
    return %c0_i32, %c0_i32_0 : i32, i32
  }
  func.func @transform_4(%arg0: i32, %arg1: i32) -> (i32, i32) {
    %c0_i32 = arith.constant 0 : i32
    return %arg0, %arg1 : i32, i32
  }
  func.func @transform_5(%arg0: i32, %arg1: i32) -> (i32, i32) {
    %c0_i32 = arith.constant 0 : i32
    %c0_i32_0 = arith.constant 0 : i32
    %c0_i32_1 = arith.constant 0 : i32
    return %c0_i32, %c0_i32_0 : i32, i32
  }
  func.func @transform_6(%arg0: i32, %arg1: i32) -> (i32, i32) {
    %c0_i32 = arith.constant 0 : i32
    %c0_i32_0 = arith.constant 0 : i32
    %c0_i32_1 = arith.constant 0 : i32
    return %c0_i32, %c0_i32_0 : i32, i32
  }
}

</mosaic_0001>

<sc_bundles>
// kernel: kernel.4.cloned.1.call-start
scs
__scs_entry_jumppad:
0x0: {  	(pc) =	sbr.rel $0x88, $3  }
0x1: {  	(tag) =	ssettag $0x0;
	lr =	simm.s32 $0x1  }
0x2: {  	[smem:$0x3F9F] =	sst lr;
	_ =	strace $0xD0000000  }
0x3: {  	_ = 	snop  }
0x4: {  	_ = 	snop  }
0x5: {  	_ = 	snop  }
0x6: {  	_ = 	snop  }
0x7: {  	_ = 	snop  }
__scs_overlays_trampoline_lowered:
0x8: {  	[smem:$0x3FAE] =	sst s0  }
0x9: {  	[smem:$0x3FAF] =	sst s1  }
0xa: {  	[smem:$0x3FB0] =	sst s2  }
0xb: {  	[smem:$0x3FB1] =	sst s3  }
0xc: {  	[smem:$0x3FB2] =	sst s4  }
0xd: {  	[smem:$0x3FB3] =	sst s5  }
0xe: {  	[smem:$0x3FB4] =	sst s6  }
0xf: {  	[smem:$0x3FB5] =	sst s7  }
0x10: {  	[smem:$0x3FB6] =	sst s8  }
0x11: {  	[smem:$0x3FB7] =	sst s9;
	s0 =	simm.s32 @!p0 $0x0  }
0x12: {  	s1 =	sld [smem:$0x3F9D];
	s0 =	simm.s32 @p0 $0x1  }
0x13: {  	[smem:$0x3FB8] =	sst s0;
	s0 =	simm.s32 @!p1 $0x0  }
0x14: {  	s2 =	sld [smem:$0x3F9C];
	s0 =	simm.s32 @p1 $0x1  }
0x15: {  	[smem:$0x3FB9] =	sst s0;
	s0 =	simm.s32 @!p2 $0x0  }
0x16: {  	s3 =	sld [smem:$0x3FDB];
	s0 =	simm.s32 @p2 $0x1  }
0x17: {  	s4 =	simm.s32 $0x1BF5;
	[smem:$0x3FBB] =	sst s0  }
0x18: {  	s0 =	sld [smem:$0x3F9E];
	_ =	swait.ge [sflag:s4], $0x0  }
0x19: {  	s7 =	sld [smem:$0x3F9F]  }
0x1a: {  	s8 =	sadd.s32 $0xFFFFE003, lr  }
0x1b: {  	s9 =	sadd.s32 $0xFFFFFEF7, lr;
	s5 =	simm.s32 $0xFFFFFFFF;
	p2 =	slt.u32 s8, $0xFFFFF086  }
0x1c: {  	p1 =	slt.u32 s9, $0xF7A;
	s5 =	simm.s32 @!p2 $0x0  }
0x1d: {  	s5 =	simm.s32 @p1 $0x1;
	p0 =	seq.s32 s7, s2  }
0x1e: {  	s7 =	smul.u32 @!p0 $0xF7A, s2;
	p2 =	seq.s32 @!p0 s5, $0x0  }
0x1f: {  	s9 =	smul.u32 $0xF7A, s1;
	s8 =	simm.s32 @!p0 $0x1BF5;
	p2 =	por !p2, p0  }
0x20: {  	[sflag:s8] =	ssyncset.s32 @!p0 $0xFFFFF086;
	s6 =	sadd.s32 @!p0 s3, s7;
	s7 =	simm.s32 @!p0 $0x108  }
0x21: {  	s3 =	sadd.s32 s3, s9;
	s6 =	sadd.s32 @!p0 $0x88, s6;
	s7 =	simm.s32 @p2 $0x1082  }
0x22: {  	[simem:s7], [sflag:s8] =	dma.local @!p0 [hbm:s6], $0xF7A  }
0x23: {  	s9 =	sor.u32 $0xD0000000, s2;
	s6 =	simm.s32 $0x108;
	_ =	swait.ge @!p0 [sflag:s8], $0x0  }
0x24: {  	s3 =	sadd.s32 $0x88, s3;
	s6 =	simm.s32 @!p1 $0x1082;
	[sflag:s4] =	ssyncset.s32 $0xFFFFF086  }
0x25: {  	[simem:s6], [sflag:s4] =	dma.local [hbm:s3], $0xF7A  }
0x26: {  	[smem:$0x3F9F] =	sst s1;
	(tag) =	ssettag s2;
	_ =	strace s9  }
0x27: {  	s1 =	sld [smem:$0x3FAF]  }
0x28: {  	s2 =	sld [smem:$0x3FB0]  }
0x29: {  	s4 =	sld [smem:$0x3FB2]  }
0x2a: {  	p0 =	seq.s32 s5, $0x0;
	s5 =	sld [smem:$0x3FB3]  }
0x2b: {  	s6 =	sld [smem:$0x3FB4]  }
0x2c: {  	s7 =	sld [smem:$0x3FB5]  }
0x2d: {  	s3 =	simm.s32 $0x108;
	s8 =	sld [smem:$0x3FB6]  }
0x2e: {  	s3 =	simm.s32 @!p0 $0x1082;
	s9 =	sld [smem:$0x3FB7]  }
0x2f: {  	lr =	sadd.s32 s0, s3;
	s0 =	sld [smem:$0x3FAE]  }
0x30: {  	s3 =	sld [smem:$0x3FB1]  }
0x31: {  	[smem:$0x3FBA] =	sst s10  }
0x32: {  	s10 =	sld [smem:$0x3FB8];
	_ =	sdelay $0x3  }
0x33: {  	p0 =	seq.s32 s10, $0x1;
	s10 =	sld [smem:$0x3FBA];
	_ =	sdelay $0x3  }
0x34: {  	[smem:$0x3FBA] =	sst s10  }
0x35: {  	s10 =	sld [smem:$0x3FB9];
	_ =	sdelay $0x3  }
0x36: {  	p1 =	seq.s32 s10, $0x1;
	s10 =	sld [smem:$0x3FBA];
	_ =	sdelay $0x3  }
0x37: {  	[smem:$0x3FBA] =	sst s10  }
0x38: {  	s10 =	sld [smem:$0x3FBB]  }
0x39: {  	_ = 	snop;
	(pc) =	sbr.ind lr, $3  }
0x3a: {  	_ = 	snop  }
0x3b: {  	_ = 	snop  }
0x3c: {  	p2 =	seq.s32 s10, $0x1;
	s10 =	sld [smem:$0x3FBA]  }
0x3d: {  	_ =	shalt  }
0x3e: {  	_ =	shalt  }
0x3f: {  	_ =	shalt  }
0x40: {  	_ =	shalt  }
0x41: {  	_ =	shalt  }
0x42: {  	_ =	shalt  }
0x43: {  	_ =	shalt  }
0x44: {  	_ =	shalt  }
0x45: {  	_ =	shalt  }
0x46: {  	_ =	shalt  }
0x47: {  	_ =	shalt  }
0x48: {  	_ =	shalt  }
0x49: {  	_ =	shalt  }
0x4a: {  	_ =	shalt  }
0x4b: {  	_ =	shalt  }
0x4c: {  	_ =	shalt  }
0x4d: {  	_ =	shalt  }
0x4e: {  	_ =	shalt  }
0x4f: {  	_ =	shalt  }
0x50: {  	_ =	shalt  }
0x51: {  	_ =	shalt  }
0x52: {  	_ =	shalt  }
0x53: {  	_ =	shalt  }
0x54: {  	_ =	shalt  }
0x55: {  	_ =	shalt  }
0x56: {  	_ =	shalt  }
0x57: {  	_ =	shalt  }
0x58: {  	_ =	shalt  }
0x59: {  	_ =	shalt  }
0x5a: {  	_ =	shalt  }
0x5b: {  	_ =	shalt  }
0x5c: {  	_ =	shalt  }
0x5d: {  	_ =	shalt  }
0x5e: {  	_ =	shalt  }
0x5f: {  	_ =	shalt  }
0x60: {  	_ =	shalt  }
0x61: {  	_ =	shalt  }
0x62: {  	_ =	shalt  }
0x63: {  	_ =	shalt  }
0x64: {  	_ =	shalt  }
0x65: {  	_ =	shalt  }
0x66: {  	_ =	shalt  }
0x67: {  	_ =	shalt  }
0x68: {  	_ =	shalt  }
0x69: {  	_ =	shalt  }
0x6a: {  	_ =	shalt  }
0x6b: {  	_ =	shalt  }
0x6c: {  	_ =	shalt  }
0x6d: {  	_ =	shalt  }
0x6e: {  	_ =	shalt  }
0x6f: {  	_ =	shalt  }
0x70: {  	_ =	shalt  }
0x71: {  	_ =	shalt  }
0x72: {  	_ =	shalt  }
0x73: {  	_ =	shalt  }
0x74: {  	_ =	shalt  }
0x75: {  	_ =	shalt  }
0x76: {  	_ =	shalt  }
0x77: {  	_ =	shalt  }
0x78: {  	_ =	shalt  }
0x79: {  	_ =	shalt  }
0x7a: {  	_ =	shalt  }
0x7b: {  	_ =	shalt  }
0x7c: {  	_ =	shalt  }
0x7d: {  	_ =	shalt  }
0x7e: {  	_ =	shalt  }
0x7f: {  	_ =	shalt  }
0x80: {  	_ =	shalt  }
0x81: {  	_ =	shalt  }
0x82: {  	_ =	shalt  }
0x83: {  	_ =	shalt  }
0x84: {  	_ =	shalt  }
0x85: {  	_ =	shalt  }
0x86: {  	_ =	shalt  }
0x87: {  	_ =	shalt  }
.Lfunc_end0:
.L_simem_size_0:
called_computation_lowered:
.L_overlay_start_0:
0x88: {  	s2 =	sld [smem:$0x3FD9]  }
0x89: {  	s3 =	sld [smem:$0x3FFE];
	_ =	sdelay $0x1  }
0x8a: {  	s1 =	srdreg.scid  }
0x8b: {  	s0 =	sand.u32 $0x1, s1  }
0x8c: {  	s14 =	sshll.u32 s0, $0xA;
	s2 =	sadd.s32 s3, s2  }
0x8d: {  	s2 =	sadd.s32 s2, s14  }
0x8e: {  	[smem:$0x3FC6] =	sst s2  }
0x8f: {  	_ = 	snop  }
0x90: {  	s2 =	sld [smem:$0x3FD0];
	_ =	sdelay $0x2  }
0x91: {  	s15 =	simm.s32 $0xA;
	s4 =	simm.s32 $0x10  }
0x92: {  	[smem:s4], [sflag:s15] =	dma.local [hbm:s2], $0x1  }
0x93: {  	_ =	swait.eq [sflag:s15], $0x1  }
0x94: {  	[sflag:s15] =	ssyncset.done $0x0  }
0x95: {  	s16 =	sld [smem:$0x10];
	[sflag:s15] =	ssyncadd.s32 $0xFFFFFFFF  }
0x96: {  	s17 =	sld [smem:$0x11];
	(tm) =	ssettm $0x1  }
0x97: {  	s18 =	sld [smem:$0x3FFB];
	_ =	sdelay $0x3  }
0x98: {  	_ =	strace s18  }
0x99: {  	s4 =	sld [smem:$0x3FFC];
	_ =	sdelay $0x3  }
0x9a: {  	_ =	strace s4  }
0x9b: {  	s4 =	sld [smem:$0x3FFD];
	_ =	sdelay $0x3  }
0x9c: {  	_ =	strace s4  }
0x9d: {  	_ =	strace $0x8FFFFFFF  }
0x9e: {  	s19 =	sld [smem:$0x3FDB];
	_ =	sdelay $0x1  }
0x9f: {  	s5 =	simm.s32 $_scs_section_size  }
0xa0: {  	s6 =	simm.s32 $_size__tile_overlayer_lowered;
	s7 =	simm.s32 $_tile_overlayer_lowered  }
0xa1: {  	s22 =	simm.s32 $0x1BFF;
	s21 =	sshll.u32 s7, $0x1;
	s4 =	sadd.s32 s5, s19  }
0xa2: {  	s8 =	simm.s32 $0x0;
	s20 =	sshll.u32 s6, $0x1;
	s6 =	sadd.s32 s21, s4  }
0xa3: {  	[timem:s8], [sflag:s22] =	dma.local [hbm:s6], s20  }
0xa4: {  	_ =	swait.ge [sflag:s22], s20  }
0xa5: {  	s5 =	ssub.s32 $0x0, s20;
	[sflag:s22] =	ssyncset.done $0x0  }
0xa6: {  	[sflag:s22] =	ssyncadd.s32 s5;
	_ =	sdelay $0x1  }
0xa7: {  	s23 =	simm.s32 $0x1B8B  }
0xa8: {  	_ =	swait.ge [sflag:s23], $0x1  }
0xa9: {  	[sflag:s23] =	ssyncset.done $0x0  }
0xaa: {  	s25 =	simm.s32 $0x1B8E;
	s24 =	sld [smem:$0x3FFE];
	[sflag:s23] =	ssyncadd.s32 $0xFFFFFFFF  }
0xab: {  	s26 =	simm.s32 $execute0_lowered;
	[smem:$0x3FD2] =	sst s25  }
0xac: {  	s6 =	sshll.u32 s26, $0x1;
	_ =	strace $0x80000046;
	[dreg:$0x1] =	wrdreg $0xFFFFFFFF  }
0xad: {  	s28 =	simm.s32 $_size_execute0_lowered;
	s4 =	sadd.s32 s4, s6;
	[dreg:$0x0] =	wrdreg $0x0  }
0xae: {  	s6 =	sshll.u32 s28, $0x1;
	[dreg:$0x2] =	wrdreg s4  }
0xaf: {  	[dreg:$0x3] =	wrdreg s6  }
0xb0: {  	[dreg:$0x4] =	wrdreg $0xC0  }
0xb1: {  	_ =	task [dreg:s8], $0x5FFFF  }
0xb2: {  	[dreg:$0x1] =	wrdreg $0xFFFFFFFF  }
0xb3: {  	[dreg:$0x0] =	wrdreg $0x60  }
0xb4: {  	[dreg:$0x2] =	wrdreg s16  }
0xb5: {  	[dreg:$0x3] =	wrdreg s17  }
0xb6: {  	[dreg:$0x4] =	wrdreg s24  }
0xb7: {  	[dreg:$0x5] =	wrdreg $0x9  }
0xb8: {  	_ =	task.clear_ibuf [dreg:s8], $0x6FFFF;
	_ =	strace $0x90000046  }
0xb9: {  	s29 =	simm.s32 $0x9;
	_ =	strace $0x80000048  }
0xba: {  	_ =	swait.ge [sflag:s29], $0x1  }
0xbb: {  	[sflag:s29] =	ssyncadd.s32 $0xFFFFFFFF  }
0xbc: {  	_ =	strace $0x90000048  }
0xbd: {  	_ =	sfence  }
0xbe: {  	s30 =	sld [smem:$0x0];
	_ =	sdelay $0x2  }
0xbf: {  	s31 =	sshll.u32 s1, $0xD;
	s1 =	sshrl.u32 s1, $0x2  }
0xc0: {  	s3 =	sand.u32 $0x4000, s31;
	s1 =	sadd.s32 s1, s30  }
0xc1: {  	s0 =	sor.u32 s3, s0;
	s1 =	sshll.u32 s1, $0x11  }
0xc2: {  	s0 =	sor.u32 s1, s0  }
0xc3: {  	s0 =	sadd.s32 $0x8F2B, s0  }
0xc4: {  	[sflag:s0] =	ssyncadd.remote.s32 $0x1  }
0xc5: {  	_ =	sfence.sel $0xFFFF  }
0xc6: {  	[dreg:$0x0] =	wrdreg $0xFFFFFFFF;
	(pc) =	sbr.abs _section_cstart, $3  }
0xc7: {  	[dreg:$0x1] =	wrdreg $0xFFFFFFFF  }
0xc8: {  	_ =	task.clear_ibuf [dreg:s8], $0x2FFFF;
	_ =	strace $0x9FFFFFFF  }
0xc9: {  	(tm) =	ssettm $0x7FFFFFFF  }
tec
execute0_lowered:
.L_overlay_start_1:
0x0: {  	(tag) =	ssettag $0x1  }
0x1: {  	s2 =	rddreg [dreg:$0x0]  }
0x2: {  	s4 =	rddreg [dreg:$0x1];
	s1 =	srdreg.scid  }
0x3: {  	s0 =	stileid.u32;
	s10 =	rddreg [dreg:$0x2];
	s7 =	simm.s32 $0x400  }
0x4: {  	s11 =	sand.u32 $0x1, s1;
	s3 =	sshll.u32 s0, $0x1;
	s1 =	rddreg [dreg:$0x3]  }
0x5: {  	s5 =	sshll.u32 s0, $0x8;
	s12 =	sor.u32 s11, s3;
	s3 =	simm.s32 $0x0  }
0x6: {  	s5 =	sand.u32 $0xC00, s5;
	s6 =	sshll.u32 s12, $0x4;
	[smem:$0x7FF] =	sst s3  }
0x7: {  	s4 =	sadd.s32 s4, s5;
	s5 =	simm.s32 $0x80;
	s6 =	sand.u32 $0x70, s6  }
0x8: {  	_ =	strace $0x80000047;
	s4 =	sadd.s32 s6, s4;
	s6 =	simm.s32 $0x2  }
0x9: {  	[tilespmem:s3], [sflag:$0x2] =	stream.strided.gather [hbm4b:s4+s5], $0x400, s7, s5, $0x38;
	[tilespmem:$0x10400] =	vst v63  }
0xa: {  	_ =	swait.ge [sflag:s6], $0x400  }
0xb: {  	[sflag:s6] =	ssyncset.done $0x0  }
0xc: {  	s8 =	simm.s32 $0x200;
	s9 =	simm.s32 $0x1;
	[sflag:s6] =	ssyncadd.s32 $0xFFFFFC00  }
0xd: {  	[tilespmem:s7], [sflag:$0x1] =	stream.indirect.gather [hbm4b:s2+s8], $0x80, s3, s8, $0xb8;
	[tilespmem:$0x10400] =	vst v63  }
0xe: {  	_ =	swait.ge [sflag:s9], $0x10000  }
0xf: {  	s12 =	sshll.u32 s12, $0xE;
	[sflag:s9] =	ssyncset.done $0x0  }
0x10: {  	s11 =	ssub.s32 $0x2, s11;
	s10 =	sadd.s32 s10, s12;
	[sflag:s9] =	ssyncadd.s32 $0xFFFF0000  }
0x11: {  	[hbm4b:s10+s3] =	stream.linear.scatter [tilespmem:s7], [sflag:$0x2], $0x10000, $0x38;
	[tilespmem:$0x10400] =	vst v63  }
0x12: {  	s31 =	sshrl.u32 s11, $0x1;
	_ =	swait.ge [sflag:s6], $0x10000  }
0x13: {  	s12 =	ssub.s32 s11, s31;
	[sflag:s6] =	ssyncset.done $0x0  }
0x14: {  	s12 =	smax.u32 s12, $0x1;
	[sflag:s6] =	ssyncadd.s32 $0xFFFF0000  }
0x15: {  	[tilespmem:s7], [sflag:$0x1] =	stream.indirect.gather [hbm4b:s2+s8], $0x80, s8, s8, $0xb8;
	[tilespmem:$0x10400] =	vst v63  }
0x16: {  	p0 =	sne.s32 s12, $0x1;
	_ =	swait.ge [sflag:s9], $0x10000  }
.Ltmp0:
0x17: {  	[sflag:s9] =	ssyncset.done $0x0;
	(pc) =	sbr.rel @!p0 .LBB2_2-.Ltmp0, $4  }
0x18: {  	s11 =	sadd.s32 $0x2000, s10;
	[sflag:s9] =	ssyncadd.s32 $0xFFFF0000  }
0x19: {  	[hbm4b:s11+s3] =	stream.linear.scatter [tilespmem:s7], [sflag:$0x2], $0x10000, $0x38;
	[tilespmem:$0x10400] =	vst v63  }
0x1a: {  	_ =	swait.ge [sflag:s6], $0x10000  }
0x1b: {  	s12 =	sadd.s32 $0xFFFFFFFF, s12;
	[sflag:s6] =	ssyncset.done $0x0  }
.LBB2_1:
0x1c: {  	p0 =	sne.s32 s12, $0x1;
	s12 =	sadd.s32 $0xFFFFFFFF, s12;
	[sflag:s6] =	ssyncadd.s32 $0xFFFF0000  }
0x1d: {  	[tilespmem:s3], [sflag:$0x2] =	stream.strided.gather [hbm4b:s4+s5], $0x400, s7, s5, $0x38;
	[tilespmem:$0x10400] =	vst v63  }
0x1e: {  	_ =	swait.ge [sflag:s6], $0x400  }
0x1f: {  	[sflag:s6] =	ssyncset.done $0x0  }
0x20: {  	[sflag:s6] =	ssyncadd.s32 $0xFFFFFC00  }
0x21: {  	[tilespmem:s7], [sflag:$0x1] =	stream.indirect.gather [hbm4b:s2+s8], $0x80, s3, s8, $0xb8;
	[tilespmem:$0x10400] =	vst v63  }
0x22: {  	_ =	swait.ge [sflag:s9], $0x10000  }
0x23: {  	[sflag:s9] =	ssyncset.done $0x0  }
0x24: {  	[sflag:s9] =	ssyncadd.s32 $0xFFFF0000  }
0x25: {  	[hbm4b:s10+s3] =	stream.linear.scatter [tilespmem:s7], [sflag:$0x2], $0x10000, $0x38;
	[tilespmem:$0x10400] =	vst v63  }
0x26: {  	_ =	swait.ge [sflag:s6], $0x10000  }
0x27: {  	[sflag:s6] =	ssyncset.done $0x0  }
0x28: {  	[sflag:s6] =	ssyncadd.s32 $0xFFFF0000  }
0x29: {  	[tilespmem:s7], [sflag:$0x1] =	stream.indirect.gather [hbm4b:s2+s8], $0x80, s8, s8, $0xb8;
	[tilespmem:$0x10400] =	vst v63  }
0x2a: {  	_ =	swait.ge [sflag:s9], $0x10000  }
.Ltmp1:
0x2b: {  	[sflag:s9] =	ssyncset.done $0x0;
	(pc) =	sbr.rel @p0 .LBB2_1-.Ltmp1, $4  }
0x2c: {  	[sflag:s9] =	ssyncadd.s32 $0xFFFF0000  }
0x2d: {  	[hbm4b:s11+s3] =	stream.linear.scatter [tilespmem:s7], [sflag:$0x2], $0x10000, $0x38;
	[tilespmem:$0x10400] =	vst v63  }
0x2e: {  	_ =	swait.ge [sflag:s6], $0x10000  }
0x2f: {  	[sflag:s6] =	ssyncset.done $0x0  }
.LBB2_2:
0x30: {  	[sflag:s6] =	ssyncadd.s32 $0xFFFF0000  }
0x31: {  	_ =	sfence.sel $0x180000  }
0x32: {  	[bflag:$0x0] =	sbarrier.arrive $0xFFFF  }
0x33: {  	p0 =	sne.s32 s0, $0x0;
	_ =	strace $0x90000047  }
0x34: {  	s0 =	sadd.s32 @!p0 $0x100000, s1;
	[bflag:$0x2] =	sbarrier.arrive $0xFFFF  }
0x35: {  	[sflag:s0] =	ssyncadd.tile.s32 @!p0 $0x1;
	_ =	shalt  }
.Lfunc_end2:
_tile_overlayer_lowered:
.L_overlay_start_2:
0x36: {  	(tag) =	ssettag $0x2  }
0x37: {  	s0 =	rddreg [dreg:$0x0];
	s2 =	stileid.u32  }
0x38: {  	s1 =	rddreg [dreg:$0x1];
	p0 =	sne.s32 s2, $0x0  }
0x39: {  	s3 =	rddreg [dreg:$0x2];
	[bflag:$0x3] =	sbarrier.arrive $0xFFFF;
	s2 =	simm.s32 @!p0 $0x1C02  }
0x3a: {  	[timem:s3], [sflag:s2] =	dma.local @!p0 [hbm:s0], s1  }
0x3b: {  	s0 =	simm.s32 @!p0 $0x2  }
0x3c: {  	_ =	swait.ge @!p0 [sflag:s0], s1  }
0x3d: {  	s1 =	ssub.s32 @!p0 $0x0, s1;
	[sflag:s0] =	ssyncset.done @!p0 $0x0  }
0x3e: {  	[sflag:s0] =	ssyncadd.s32 @!p0 s1  }
0x3f: {  	[bflag:$0x3] =	sbarrier.arrive $0xFFFF  }
0x40: {  	_ =	shalt  }

</sc_bundles>
